<compile_context>
chip_gen: v7x
topology: tpu7x:2x2x1
jax: 0.10.2.dev20260603
libtpu: 0.0.44.dev20260713+nightly
codegen_flags: <defaults>
</compile_context>

<pallas_src>
import functools

import jax
import jax.numpy as jnp
from jax import lax
from jax.experimental import pallas as pl
from jax.experimental.pallas import tpu as pltpu
from jax.experimental.pallas import tpu_sc as plsc

_B, _A, _C = 32, 8732, 81
_N = _B * _A
_G = 128
_R = _N // _G
_BR = 37
_S = _R // _BR
_LR = (_BR * _G * 4) // _G
_AP = 8832
_NSL = _AP // 16


def _tc_body(cls_ref, tgt_ref, locp_ref, loct_ref, mask_ref, ce_ref, loc_ref,
             acc_ref):
    x = cls_ref[0]
    t_col = tgt_ref[0].reshape(_A, 1)
    lse = jnp.log(jnp.sum(jnp.exp(x), axis=1, keepdims=True))
    ids = lax.broadcasted_iota(jnp.int32, (_A, _C), 1)
    picked = jnp.sum(jnp.where(ids == t_col, x, 0.0), axis=1, keepdims=True)
    ce_ref[0] = (lse - picked).reshape(1, _A)

    d = locp_ref[0] - loct_ref[0]
    ad = jnp.abs(d)
    sl1 = jnp.where(ad < 1.0, 0.5 * d * d, ad - 0.5)
    blk = jnp.sum(sl1 * mask_ref[0])
    i = pl.program_id(0)
    tot = jnp.where(i == 0, blk, acc_ref[0, 0] + blk)
    acc_ref[0, 0] = tot

    @pl.when(i == _B - 1)
    def _():
        loc_ref[0, 0] = tot


def _tc_pass(cls_p, tgt3, locp, loct, mask):
    return pl.pallas_call(
        _tc_body,
        grid=(_B,),
        in_specs=[
            pl.BlockSpec((1, _A, _C), lambda i: (i, 0, 0)),
            pl.BlockSpec((1, 1, _A), lambda i: (i, 0, 0)),
            pl.BlockSpec((1, 1, _A * 4), lambda i: (i, 0, 0)),
            pl.BlockSpec((1, 1, _A * 4), lambda i: (i, 0, 0)),
            pl.BlockSpec((1, 1, _A * 4), lambda i: (i, 0, 0)),
        ],
        out_specs=[
            pl.BlockSpec((1, 1, _A), lambda i: (i, 0, 0)),
            pl.BlockSpec(memory_space=pltpu.SMEM),
        ],
        out_shape=[
            jax.ShapeDtypeStruct((_B, 1, _A), jnp.float32),
            jax.ShapeDtypeStruct((1, 1), jnp.float32),
        ],
        scratch_shapes=[pltpu.SMEM((1, 1), jnp.float32)],
    )(cls_p, tgt3, locp, loct, mask)


def _sc_mine(ce_flat, tgt_flat):
    mesh = plsc.VectorSubcoreMesh(core_axis_name="c", subcore_axis_name="s")

    @functools.partial(
        pl.kernel,
        mesh=mesh,
        out_type=[
            jax.ShapeDtypeStruct((_B * 16,), jnp.int32),
            jax.ShapeDtypeStruct((_B * 16,), jnp.float32),
            jax.ShapeDtypeStruct((_B * 16,), jnp.float32),
        ],
        scratch_types=[
            pltpu.VMEM((_AP,), jnp.float32),
            pltpu.VMEM((_AP,), jnp.int32),
            pltpu.VMEM((16,), jnp.int32),
            pltpu.VMEM((16,), jnp.float32),
            pltpu.VMEM((16,), jnp.float32),
        ],
    )
    def mine(ce_hbm, tgt_hbm, npo_hbm, spo_hbm, sno_hbm,
             ce_v, tgt_v, oa_v, ob_v, oc_v):
        row = lax.axis_index("c") * 16 + lax.axis_index("s")
        pltpu.sync_copy(ce_hbm.at[pl.ds(row * _AP, _AP)], ce_v)
        pltpu.sync_copy(tgt_hbm.at[pl.ds(row * _AP, _AP)], tgt_v)
        zi = jnp.zeros((16,), jnp.int32)
        zf = jnp.zeros((16,), jnp.float32)
        onei = jnp.ones((16,), jnp.int32)

        def p1(i, carry):
            npos, spos, sneg = carry
            v = ce_v[pl.ds(i * 16, 16)]
            t = tgt_v[pl.ds(i * 16, 16)]
            isp = t > 0
            return (npos + jnp.where(isp, onei, zi),
                    spos + jnp.where(isp, v, 0.0),
                    sneg + jnp.where(isp, 0.0, v))

        npv, spv, snv = lax.fori_loop(0, _NSL, p1, (zi, zf, zf))
        oa_v[...] = npv
        ob_v[...] = spv
        oc_v[...] = snv
        pltpu.sync_copy(oa_v, npo_hbm.at[pl.ds(row * 16, 16)])
        pltpu.sync_copy(ob_v, spo_hbm.at[pl.ds(row * 16, 16)])
        pltpu.sync_copy(oc_v, sno_hbm.at[pl.ds(row * 16, 16)])

    return mine(ce_flat, tgt_flat)


def _rare_body(ce_ref, tgt_ref, np_ref, loc_ref, out_ref):
    ce = ce_ref[...]
    t = tgt_ref[...]
    np_b = np_ref[...].astype(jnp.float32)
    k = 3.0 * np_b
    nneg = float(_A) - np_b
    isp = t > 0
    spos_b = jnp.sum(jnp.where(isp, ce, 0.0), axis=1, keepdims=True)
    sneg_b = jnp.sum(jnp.where(isp, 0.0, ce), axis=1, keepdims=True)
    u = jnp.where(isp, jnp.int32(-1), lax.bitcast_convert_type(ce, jnp.int32))
    ki = 3 * np_ref[...]

    def sbit(j, thr):
        cand = thr | jnp.left_shift(jnp.int32(1), 30 - j)
        cnt = jnp.sum((u >= cand).astype(jnp.int32), axis=1, keepdims=True)
        return jnp.where(cnt >= ki, cand, thr)

    thr = lax.fori_loop(0, 31, sbit, jnp.zeros((_B, 1), jnp.int32))
    gt = u > thr
    cnt_gt = jnp.sum(gt.astype(jnp.int32), axis=1, keepdims=True)
    sum_gt = jnp.sum(jnp.where(gt, ce, 0.0), axis=1, keepdims=True)
    tval = lax.bitcast_convert_type(thr, jnp.float32)
    sel_rare = sum_gt + (ki - cnt_gt).astype(jnp.float32) * tval
    sel_rare = jnp.where(ki == 0, 0.0, sel_rare)
    sel = spos_b + jnp.where(k >= nneg, sneg_b, sel_rare)
    num_pos = jnp.sum(np_b)
    out_ref[0, 0] = (loc_ref[0, 0] + jnp.sum(sel)) / num_pos


def _rare_pass(ce_pad, tgt_pad, np_b, loc_sum):
    return pl.pallas_call(
        _rare_body,
        in_specs=[
            pl.BlockSpec((_B, _AP), lambda: (0, 0)),
            pl.BlockSpec((_B, _AP), lambda: (0, 0)),
            pl.BlockSpec((_B, 1), lambda: (0, 0)),
            pl.BlockSpec(memory_space=pltpu.SMEM),
        ],
        out_specs=pl.BlockSpec(memory_space=pltpu.SMEM),
        out_shape=jax.ShapeDtypeStruct((1, 1), jnp.float32),
    )(ce_pad, tgt_pad, np_b, loc_sum)


def kernel(loc_preds, cls_preds, loc_targets, cls_targets):
    tgt = cls_targets.astype(jnp.int32)
    posrep = jnp.repeat((tgt.reshape(-1) > 0).astype(jnp.float32),
                        4).reshape(_B, 1, _A * 4)
    ce3, loc_sum = _tc_pass(cls_preds, tgt.reshape(_B, 1, _A),
                            loc_preds.reshape(_B, 1, _A * 4),
                            loc_targets.reshape(_B, 1, _A * 4), posrep)
    ce_pad = jnp.pad(ce3.reshape(_B, _A), ((0, 0), (0, _AP - _A)))
    tgt_pad = jnp.pad(tgt, ((0, 0), (0, _AP - _A)))
    npo, spo, sno = _sc_mine(ce_pad.reshape(-1), tgt_pad.reshape(-1))
    np_b = jnp.sum(npo.reshape(_B, 16), axis=1)
    sel_fast = jnp.sum(spo) + jnp.sum(sno)
    num_pos = jnp.sum(np_b).astype(jnp.float32)
    loss_fast = (loc_sum[0, 0] + sel_fast) / num_pos
    any_rare = jnp.any(4 * np_b < _A)
    return lax.cond(
        any_rare,
        lambda: _rare_pass(ce_pad, tgt_pad, np_b[:, None], loc_sum)[0, 0],
        lambda: loss_fast,
    )

# --- scband reference (transcript-rebuilt; emitter-appended) ---
"""Pipeline reference for scband-ssdloss-64141041598805 (READ-ONLY COPY).

The authoritative reference and input builder live on the scoring server;
editing this copy changes nothing except your own understanding.
"""

import jax, jax.numpy as jnp
import numpy as np

NUM_CLASSES = 81
B, A = 32, 8732

def setup_inputs(seed: int = 0) -> dict:
    key = jax.random.key(seed)
    k1, k2, k3, k4 = jax.random.split(key, 4)
    loc_preds = jax.random.normal(k1, (B, A, 4), dtype=jnp.float32)
    cls_preds = jax.random.normal(k2, (B, A, NUM_CLASSES), dtype=jnp.float32)
    loc_targets = jax.random.normal(k3, (B, A, 4), dtype=jnp.float32)
    cls_targets = jax.random.randint(k4, (B, A), 0, NUM_CLASSES, dtype=jnp.int64)
    return {"loc_preds": loc_preds, "cls_preds": cls_preds, "loc_targets": loc_targets, "cls_targets": cls_targets}

def _smooth_l1_sum(pred, tgt, mask_f):
    diff = pred - tgt
    absd = jnp.abs(diff)
    sl1 = jnp.where(absd < 1.0, 0.5 * diff * diff, absd - 0.5)
    return (sl1 * mask_f).sum()

def _cross_entropy_per_elem(logits, targets):
    lse = jax.nn.logsumexp(logits, axis=1)
    picked = jnp.take_along_axis(logits, targets[:, None], axis=1)[:, 0]
    return lse - picked

def reference(loc_preds, cls_preds, loc_targets, cls_targets):
    pos = cls_targets > 0
    batch_size = cls_targets.shape[0]
    num_pos = pos.astype(jnp.int64).sum()
    # smooth L1 on positive anchors (sum reduction), implemented as masked sum
    mask_f = pos[:, :, None].astype(jnp.float32)
    loc_loss = _smooth_l1_sum(loc_preds, loc_targets, mask_f)
    # per-anchor cross entropy
    logits = cls_preds.reshape(-1, NUM_CLASSES)
    tgt = cls_targets.reshape(-1)
    ce = _cross_entropy_per_elem(logits, tgt).reshape(batch_size, -1)
    cls_loss = jnp.where(cls_targets < 0, 0.0, ce)
    # hard negative mining: negatives are the 3*num_pos highest-loss background anchors
    masked = cls_loss * (pos.astype(jnp.float32) - 1.0)
    idx = jnp.argsort(masked, axis=1)
    rank = jnp.argsort(idx, axis=1)
    num_neg = 3 * pos.astype(jnp.int64).sum(axis=1)
    neg = rank < num_neg[:, None]
    sel = jnp.logical_or(pos, neg).astype(jnp.float32)
    cls_loss_sum = (cls_loss * sel).sum()
    loss = (loc_loss + cls_loss_sum) / num_pos.astype(jnp.float32)
    return loss

if __name__ == "__main__":
    import jax
    _d = setup_inputs()
    print(jax.jit(kernel)(*tuple(_d.values())))

</pallas_src>

<mosaic_0001>
#map = affine_map<(d0, d1) -> (0)>
module attributes {stable_mosaic.version = 14 : i64} {
  func.func @mine(%arg0: i32, %arg1: i32, %arg2: memref<282624xf32, #tpu.memory_space<hbm>>, %arg3: memref<282624xi32, #tpu.memory_space<hbm>>, %arg4: memref<512xi32, #tpu.memory_space<hbm>>, %arg5: memref<512xf32, #tpu.memory_space<hbm>>, %arg6: memref<512xf32, #tpu.memory_space<hbm>>, %arg7: memref<8832xf32, #tpu.memory_space<vmem>>, %arg8: memref<8832xi32, #tpu.memory_space<vmem>>, %arg9: memref<16xi32, #tpu.memory_space<vmem>>, %arg10: memref<16xf32, #tpu.memory_space<vmem>>, %arg11: memref<16xf32, #tpu.memory_space<vmem>>) attributes {dimension_semantics = [#tpu.dimension_semantics<core_parallel>, #tpu.dimension_semantics<subcore_parallel>], iteration_bounds = array<i64: 2, 16>, scalar_prefetch = 0 : i64, scratch_operands = 5 : i64, tpu.core_type = #tpu.core_type<sc_vector_subcore>, window_params = [{transform_indices = #map}, {transform_indices = #map}, {transform_indices = #map}, {transform_indices = #map}, {transform_indices = #map}]} {
    %mul3A = arith.constant 16 : i32
    %mul3A_0 = arith.muli %arg0, %mul3A : i32
    %add3A = arith.addi %mul3A_0, %arg1 : i32
    %mul3A_1 = arith.constant 8832 : i32
    %mul3A_2 = arith.muli %add3A, %mul3A_1 : i32
    "tpu.region"() ({
      %run_scoped3A = tpu.sem_alloc : memref<!tpu.dma_semaphore, #tpu.memory_space<semaphore_mem>>
      %dma_start3A = tpu.memref_slice %arg2[%mul3A_2] : memref<282624xf32, #tpu.memory_space<hbm>> -> memref<8832xf32, #tpu.memory_space<hbm>>
      %dma_start3A_32 = tpu.memref_slice %arg2[%mul3A_2] : memref<282624xf32, #tpu.memory_space<hbm>> -> memref<8832xf32, #tpu.memory_space<hbm>>
      tpu.enqueue_dma source(%dma_start3A_32 : memref<8832xf32, #tpu.memory_space<hbm>>) target(%arg7 : memref<8832xf32, #tpu.memory_space<vmem>>) target_semaphore(%run_scoped3A : memref<!tpu.dma_semaphore, #tpu.memory_space<semaphore_mem>>)
      %dma_wait3A = tpu.memref_slice %arg2[%mul3A_2] : memref<282624xf32, #tpu.memory_space<hbm>> -> memref<8832xf32, #tpu.memory_space<hbm>>
      %dma_wait3A_33 = tpu.memref_slice %arg2[%mul3A_2] : memref<282624xf32, #tpu.memory_space<hbm>> -> memref<8832xf32, #tpu.memory_space<hbm>>
      tpu.wait_dma2 semaphore(%run_scoped3A : memref<!tpu.dma_semaphore, #tpu.memory_space<semaphore_mem>>) src(%dma_wait3A_33 : memref<8832xf32, #tpu.memory_space<hbm>>) dst(%arg7 : memref<8832xf32, #tpu.memory_space<vmem>>)
      tpu.yield
    }) : () -> ()
    %mul3A_3 = arith.constant 8832 : i32
    %mul3A_4 = arith.muli %add3A, %mul3A_3 : i32
    "tpu.region"() ({
      %run_scoped3A = tpu.sem_alloc : memref<!tpu.dma_semaphore, #tpu.memory_space<semaphore_mem>>
      %dma_start3A = tpu.memref_slice %arg3[%mul3A_4] : memref<282624xi32, #tpu.memory_space<hbm>> -> memref<8832xi32, #tpu.memory_space<hbm>>
      %dma_start3A_32 = tpu.memref_slice %arg3[%mul3A_4] : memref<282624xi32, #tpu.memory_space<hbm>> -> memref<8832xi32, #tpu.memory_space<hbm>>
      tpu.enqueue_dma source(%dma_start3A_32 : memref<8832xi32, #tpu.memory_space<hbm>>) target(%arg8 : memref<8832xi32, #tpu.memory_space<vmem>>) target_semaphore(%run_scoped3A : memref<!tpu.dma_semaphore, #tpu.memory_space<semaphore_mem>>)
      %dma_wait3A = tpu.memref_slice %arg3[%mul3A_4] : memref<282624xi32, #tpu.memory_space<hbm>> -> memref<8832xi32, #tpu.memory_space<hbm>>
      %dma_wait3A_33 = tpu.memref_slice %arg3[%mul3A_4] : memref<282624xi32, #tpu.memory_space<hbm>> -> memref<8832xi32, #tpu.memory_space<hbm>>
      tpu.wait_dma2 semaphore(%run_scoped3A : memref<!tpu.dma_semaphore, #tpu.memory_space<semaphore_mem>>) src(%dma_wait3A_33 : memref<8832xi32, #tpu.memory_space<hbm>>) dst(%arg8 : memref<8832xi32, #tpu.memory_space<vmem>>)
      tpu.yield
    }) : () -> ()
    %broadcast_in_dim3A = arith.constant 0 : i32
    %broadcast_in_dim3A_5 = vector.broadcast %broadcast_in_dim3A : i32 to vector<16xi32>
    %broadcast_in_dim3A_6 = arith.constant 0.000000e+00 : f32
    %broadcast_in_dim3A_7 = vector.broadcast %broadcast_in_dim3A_6 : f32 to vector<16xf32>
    %broadcast_in_dim3A_8 = arith.constant 1 : i32
    %broadcast_in_dim3A_9 = vector.broadcast %broadcast_in_dim3A_8 : i32 to vector<16xi32>
    %scan3A = arith.constant 0 : i32
    %scan3A_10 = arith.constant 552 : i32
    %scan3A_11 = arith.addi %scan3A, %scan3A_10 : i32
    %scan3A_12 = arith.constant 1 : i32
    %scan3A_13:3 = scf.for %scan3A_32 = %scan3A to %scan3A_11 step %scan3A_12 iter_args(%scan3A_33 = %broadcast_in_dim3A_5, %scan3A_34 = %broadcast_in_dim3A_7, %scan3A_35 = %broadcast_in_dim3A_7) -> (vector<16xi32>, vector<16xf32>, vector<16xf32>)  : i32 {
      %mul3A_36 = arith.constant 16 : i32
      %mul3A_37 = arith.muli %scan3A_32, %mul3A_36 : i32
      %get3A = arith.index_cast %mul3A_37 : i32 to index
      %get3A_38 = tpu.vector_load %arg7[%get3A] {strides = array<i32>} : memref<8832xf32, #tpu.memory_space<vmem>>, vector<16xf32>,
      %get3A_39 = vector.shape_cast %get3A_38 : vector<16xf32> to vector<16xf32>
      %mul3A_40 = arith.constant 16 : i32
      %mul3A_41 = arith.muli %scan3A_32, %mul3A_40 : i32
      %get3A_42 = arith.index_cast %mul3A_41 : i32 to index
      %get3A_43 = tpu.vector_load %arg8[%get3A_42] {strides = array<i32>} : memref<8832xi32, #tpu.memory_space<vmem>>, vector<16xi32>,
      %get3A_44 = vector.shape_cast %get3A_43 : vector<16xi32> to vector<16xi32>
      %gt3A = arith.constant 0 : i32
      %gt3A_45 = vector.broadcast %gt3A : i32 to vector<16xi32>
      %gt3A_46 = arith.cmpi sgt, %get3A_44, %gt3A_45 : vector<16xi32>
      %select_n3A = arith.select %gt3A_46, %broadcast_in_dim3A_9, %broadcast_in_dim3A_5 : vector<16xi1>, vector<16xi32>
      %add3A_47 = arith.addi %scan3A_33, %select_n3A : vector<16xi32>
      %jit3A = arith.constant 0.000000e+00 : f32
      %broadcast_in_dim3A_48 = vector.broadcast %jit3A : f32 to vector<16xf32>
      %select_n3A_49 = arith.select %gt3A_46, %get3A_39, %broadcast_in_dim3A_48 : vector<16xi1>, vector<16xf32>
      %add3A_50 = arith.addf %scan3A_34, %select_n3A_49 : vector<16xf32>
      %jit3A_51 = arith.constant 0.000000e+00 : f32
      %broadcast_in_dim3A_52 = vector.broadcast %jit3A_51 : f32 to vector<16xf32>
      %select_n3A_53 = arith.select %gt3A_46, %broadcast_in_dim3A_52, %get3A_39 : vector<16xi1>, vector<16xf32>
      %add3A_54 = arith.addf %scan3A_35, %select_n3A_53 : vector<16xf32>
      scf.yield %add3A_47, %add3A_50, %add3A_54 : vector<16xi32>, vector<16xf32>, vector<16xf32>
    }
    %scan3A_14 = arith.constant 552 : i32
    %swap3A = arith.constant 0 : index
    %swap3A_15 = tpu.vector_load %arg9[%swap3A] {strides = array<i32>} : memref<16xi32, #tpu.memory_space<vmem>>, vector<16xi32>,
    %swap3A_16 = vector.shape_cast %swap3A_15 : vector<16xi32> to vector<16xi32>
    %swap3A_17 = vector.shape_cast %scan3A_13#0 : vector<16xi32> to vector<16xi32>
    tpu.vector_store %arg9[%swap3A], %swap3A_17 {strides = array<i32>} : memref<16xi32, #tpu.memory_space<vmem>>, vector<16xi32>,
    %swap3A_18 = arith.constant 0 : index
    %swap3A_19 = tpu.vector_load %arg10[%swap3A_18] {strides = array<i32>} : memref<16xf32, #tpu.memory_space<vmem>>, vector<16xf32>,
    %swap3A_20 = vector.shape_cast %swap3A_19 : vector<16xf32> to vector<16xf32>
    %swap3A_21 = vector.shape_cast %scan3A_13#1 : vector<16xf32> to vector<16xf32>
    tpu.vector_store %arg10[%swap3A_18], %swap3A_21 {strides = array<i32>} : memref<16xf32, #tpu.memory_space<vmem>>, vector<16xf32>,
    %swap3A_22 = arith.constant 0 : index
    %swap3A_23 = tpu.vector_load %arg11[%swap3A_22] {strides = array<i32>} : memref<16xf32, #tpu.memory_space<vmem>>, vector<16xf32>,
    %swap3A_24 = vector.shape_cast %swap3A_23 : vector<16xf32> to vector<16xf32>
    %swap3A_25 = vector.shape_cast %scan3A_13#2 : vector<16xf32> to vector<16xf32>
    tpu.vector_store %arg11[%swap3A_22], %swap3A_25 {strides = array<i32>} : memref<16xf32, #tpu.memory_space<vmem>>, vector<16xf32>,
    %mul3A_26 = arith.constant 16 : i32
    %mul3A_27 = arith.muli %add3A, %mul3A_26 : i32
    "tpu.region"() ({
      %run_scoped3A = tpu.sem_alloc : memref<!tpu.dma_semaphore, #tpu.memory_space<semaphore_mem>>
      %dma_start3A = tpu.memref_slice %arg4[%mul3A_27] : memref<512xi32, #tpu.memory_space<hbm>> -> memref<16xi32, #tpu.memory_space<hbm>>
      %dma_start3A_32 = tpu.memref_slice %arg4[%mul3A_27] : memref<512xi32, #tpu.memory_space<hbm>> -> memref<16xi32, #tpu.memory_space<hbm>>
      tpu.enqueue_dma source(%arg9 : memref<16xi32, #tpu.memory_space<vmem>>) target(%dma_start3A_32 : memref<16xi32, #tpu.memory_space<hbm>>) target_semaphore(%run_scoped3A : memref<!tpu.dma_semaphore, #tpu.memory_space<semaphore_mem>>)
      %dma_wait3A = tpu.memref_slice %arg4[%mul3A_27] : memref<512xi32, #tpu.memory_space<hbm>> -> memref<16xi32, #tpu.memory_space<hbm>>
      %dma_wait3A_33 = tpu.memref_slice %arg4[%mul3A_27] : memref<512xi32, #tpu.memory_space<hbm>> -> memref<16xi32, #tpu.memory_space<hbm>>
      tpu.wait_dma2 semaphore(%run_scoped3A : memref<!tpu.dma_semaphore, #tpu.memory_space<semaphore_mem>>) src(%arg9 : memref<16xi32, #tpu.memory_space<vmem>>) dst(%dma_wait3A_33 : memref<16xi32, #tpu.memory_space<hbm>>)
      tpu.yield
    }) : () -> ()
    %mul3A_28 = arith.constant 16 : i32
    %mul3A_29 = arith.muli %add3A, %mul3A_28 : i32
    "tpu.region"() ({
      %run_scoped3A = tpu.sem_alloc : memref<!tpu.dma_semaphore, #tpu.memory_space<semaphore_mem>>
      %dma_start3A = tpu.memref_slice %arg5[%mul3A_29] : memref<512xf32, #tpu.memory_space<hbm>> -> memref<16xf32, #tpu.memory_space<hbm>>
      %dma_start3A_32 = tpu.memref_slice %arg5[%mul3A_29] : memref<512xf32, #tpu.memory_space<hbm>> -> memref<16xf32, #tpu.memory_space<hbm>>
      tpu.enqueue_dma source(%arg10 : memref<16xf32, #tpu.memory_space<vmem>>) target(%dma_start3A_32 : memref<16xf32, #tpu.memory_space<hbm>>) target_semaphore(%run_scoped3A : memref<!tpu.dma_semaphore, #tpu.memory_space<semaphore_mem>>)
      %dma_wait3A = tpu.memref_slice %arg5[%mul3A_29] : memref<512xf32, #tpu.memory_space<hbm>> -> memref<16xf32, #tpu.memory_space<hbm>>
      %dma_wait3A_33 = tpu.memref_slice %arg5[%mul3A_29] : memref<512xf32, #tpu.memory_space<hbm>> -> memref<16xf32, #tpu.memory_space<hbm>>
      tpu.wait_dma2 semaphore(%run_scoped3A : memref<!tpu.dma_semaphore, #tpu.memory_space<semaphore_mem>>) src(%arg10 : memref<16xf32, #tpu.memory_space<vmem>>) dst(%dma_wait3A_33 : memref<16xf32, #tpu.memory_space<hbm>>)
      tpu.yield
    }) : () -> ()
    %mul3A_30 = arith.constant 16 : i32
    %mul3A_31 = arith.muli %add3A, %mul3A_30 : i32
    "tpu.region"() ({
      %run_scoped3A = tpu.sem_alloc : memref<!tpu.dma_semaphore, #tpu.memory_space<semaphore_mem>>
      %dma_start3A = tpu.memref_slice %arg6[%mul3A_31] : memref<512xf32, #tpu.memory_space<hbm>> -> memref<16xf32, #tpu.memory_space<hbm>>
      %dma_start3A_32 = tpu.memref_slice %arg6[%mul3A_31] : memref<512xf32, #tpu.memory_space<hbm>> -> memref<16xf32, #tpu.memory_space<hbm>>
      tpu.enqueue_dma source(%arg11 : memref<16xf32, #tpu.memory_space<vmem>>) target(%dma_start3A_32 : memref<16xf32, #tpu.memory_space<hbm>>) target_semaphore(%run_scoped3A : memref<!tpu.dma_semaphore, #tpu.memory_space<semaphore_mem>>)
      %dma_wait3A = tpu.memref_slice %arg6[%mul3A_31] : memref<512xf32, #tpu.memory_space<hbm>> -> memref<16xf32, #tpu.memory_space<hbm>>
      %dma_wait3A_33 = tpu.memref_slice %arg6[%mul3A_31] : memref<512xf32, #tpu.memory_space<hbm>> -> memref<16xf32, #tpu.memory_space<hbm>>
      tpu.wait_dma2 semaphore(%run_scoped3A : memref<!tpu.dma_semaphore, #tpu.memory_space<semaphore_mem>>) src(%arg11 : memref<16xf32, #tpu.memory_space<vmem>>) dst(%dma_wait3A_33 : memref<16xf32, #tpu.memory_space<hbm>>)
      tpu.yield
    }) : () -> ()
    return
  }
}

module attributes {stable_mosaic.version = 14 : i64} {
  func.func @_tc_body(%arg0: i32, %arg1: memref<1x8732x81xf32, #tpu.memory_space<vmem>>, %arg2: memref<1x1x8732xi32, #tpu.memory_space<vmem>>, %arg3: memref<1x1x34928xf32, #tpu.memory_space<vmem>>, %arg4: memref<1x1x34928xf32, #tpu.memory_space<vmem>>, %arg5: memref<1x1x34928xf32, #tpu.memory_space<vmem>>, %arg6: memref<1x1x8732xf32, #tpu.memory_space<vmem>>, %arg7: memref<1x1xf32, #tpu.memory_space<smem>>, %arg8: memref<1x1xf32, #tpu.memory_space<smem>>) attributes {dimension_semantics = [#tpu.dimension_semantics<arbitrary>], iteration_bounds = array<i64: 32>, scalar_prefetch = 0 : i64, scratch_operands = 1 : i64, tpu.core_type = #tpu.core_type<tc>, window_params = [{transform_indices = @transform_0, window_bounds = array<i64: 1, 8732, 81>}, {transform_indices = @transform_1, window_bounds = array<i64: 1, 1, 8732>}, {transform_indices = @transform_2, window_bounds = array<i64: 1, 1, 34928>}, {transform_indices = @transform_3, window_bounds = array<i64: 1, 1, 34928>}, {transform_indices = @transform_4, window_bounds = array<i64: 1, 1, 34928>}, {transform_indices = @transform_5, window_bounds = array<i64: 1, 1, 8732>}, {transform_indices = @transform_6, window_bounds = array<i64: 1, 1>}]} {
    %get3A = arith.constant 0 : index
    %get3A_0 = arith.constant 0 : index
    %get3A_1 = arith.constant 0 : index
    %get3A_2 = vector.load %arg1[%get3A, %get3A_0, %get3A_1] : memref<1x8732x81xf32, #tpu.memory_space<vmem>>, vector<1x8732x81xf32>
    %get3A_3 = vector.shape_cast %get3A_2 : vector<1x8732x81xf32> to vector<8732x81xf32>
    %get3A_4 = arith.constant 0 : index
    %get3A_5 = arith.constant 0 : index
    %get3A_6 = arith.constant 0 : index
    %get3A_7 = vector.load %arg2[%get3A_4, %get3A_5, %get3A_6] : memref<1x1x8732xi32, #tpu.memory_space<vmem>>, vector<1x1x8732xi32>
    %get3A_8 = vector.shape_cast %get3A_7 : vector<1x1x8732xi32> to vector<1x8732xi32>
    %reshape3A = vector.shape_cast %get3A_8 : vector<1x8732xi32> to vector<8732x1xi32>
    %exp3A = math.exp %get3A_3 : vector<8732x81xf32>
    %reduce_sum3A = arith.constant dense<0.000000e+00> : vector<8732xf32>
    %reduce_sum3A_9 = vector.multi_reduction <add>, %exp3A, %reduce_sum3A [1] : vector<8732x81xf32> to vector<8732xf32>
    %broadcast_in_dim3A = vector.shape_cast %reduce_sum3A_9 : vector<8732xf32> to vector<8732x1xf32>
    %log3A = math.log %broadcast_in_dim3A : vector<8732x1xf32>
    %iota3A = tpu.iota {dimensions = array<i32: 1>} : vector<8732x81xi32>
    %eq3A = vector.broadcast %reshape3A : vector<8732x1xi32> to vector<8732x81xi32>
    %eq3A_10 = arith.cmpi eq, %iota3A, %eq3A : vector<8732x81xi32>
    %jit3A = arith.constant 0.000000e+00 : f32
    %broadcast_in_dim3A_11 = vector.broadcast %jit3A : f32 to vector<8732x81xf32>
    %select_n3A = arith.select %eq3A_10, %get3A_3, %broadcast_in_dim3A_11 : vector<8732x81xi1>, vector<8732x81xf32>
    %reduce_sum3A_12 = arith.constant dense<0.000000e+00> : vector<8732xf32>
    %reduce_sum3A_13 = vector.multi_reduction <add>, %select_n3A, %reduce_sum3A_12 [1] : vector<8732x81xf32> to vector<8732xf32>
    %broadcast_in_dim3A_14 = vector.shape_cast %reduce_sum3A_13 : vector<8732xf32> to vector<8732x1xf32>
    %sub3A = arith.subf %log3A, %broadcast_in_dim3A_14 : vector<8732x1xf32>
    %reshape3A_15 = vector.shape_cast %sub3A : vector<8732x1xf32> to vector<1x8732xf32>
    %swap3A = arith.constant 0 : index
    %swap3A_16 = arith.constant 0 : index
    %swap3A_17 = arith.constant 0 : index
    %swap3A_18 = vector.load %arg6[%swap3A, %swap3A_16, %swap3A_17] : memref<1x1x8732xf32, #tpu.memory_space<vmem>>, vector<1x1x8732xf32>
    %swap3A_19 = vector.shape_cast %swap3A_18 : vector<1x1x8732xf32> to vector<1x8732xf32>
    %swap3A_20 = vector.shape_cast %reshape3A_15 : vector<1x8732xf32> to vector<1x1x8732xf32>
    tpu.vector_store %arg6[%swap3A, %swap3A_16, %swap3A_17], %swap3A_20 {strides = array<i32>} : memref<1x1x8732xf32, #tpu.memory_space<vmem>>, vector<1x1x8732xf32>,
    %get3A_21 = arith.constant 0 : index
    %get3A_22 = arith.constant 0 : index
    %get3A_23 = arith.constant 0 : index
    %get3A_24 = vector.load %arg3[%get3A_21, %get3A_22, %get3A_23] : memref<1x1x34928xf32, #tpu.memory_space<vmem>>, vector<1x1x34928xf32>
    %get3A_25 = vector.shape_cast %get3A_24 : vector<1x1x34928xf32> to vector<1x34928xf32>
    %get3A_26 = arith.constant 0 : index
    %get3A_27 = arith.constant 0 : index
    %get3A_28 = arith.constant 0 : index
    %get3A_29 = vector.load %arg4[%get3A_26, %get3A_27, %get3A_28] : memref<1x1x34928xf32, #tpu.memory_space<vmem>>, vector<1x1x34928xf32>
    %get3A_30 = vector.shape_cast %get3A_29 : vector<1x1x34928xf32> to vector<1x34928xf32>
    %sub3A_31 = arith.subf %get3A_25, %get3A_30 : vector<1x34928xf32>
    %abs3A = math.absf %sub3A_31 : vector<1x34928xf32>
    %lt3A = arith.constant 1.000000e+00 : f32
    %lt3A_32 = vector.broadcast %lt3A : f32 to vector<1x34928xf32>
    %lt3A_33 = arith.cmpf olt, %abs3A, %lt3A_32 : vector<1x34928xf32>
    %mul3A = arith.constant 5.000000e-01 : f32
    %mul3A_34 = vector.broadcast %mul3A : f32 to vector<1x34928xf32>
    %mul3A_35 = arith.mulf %mul3A_34, %sub3A_31 : vector<1x34928xf32>
    %mul3A_36 = arith.mulf %mul3A_35, %sub3A_31 : vector<1x34928xf32>
    %sub3A_37 = arith.constant 5.000000e-01 : f32
    %sub3A_38 = vector.broadcast %sub3A_37 : f32 to vector<1x34928xf32>
    %sub3A_39 = arith.subf %abs3A, %sub3A_38 : vector<1x34928xf32>
    %select_n3A_40 = arith.select %lt3A_33, %mul3A_36, %sub3A_39 : vector<1x34928xi1>, vector<1x34928xf32>
    %get3A_41 = arith.constant 0 : index
    %get3A_42 = arith.constant 0 : index
    %get3A_43 = arith.constant 0 : index
    %get3A_44 = vector.load %arg5[%get3A_41, %get3A_42, %get3A_43] : memref<1x1x34928xf32, #tpu.memory_space<vmem>>, vector<1x1x34928xf32>
    %get3A_45 = vector.shape_cast %get3A_44 : vector<1x1x34928xf32> to vector<1x34928xf32>
    %mul3A_46 = arith.mulf %select_n3A_40, %get3A_45 : vector<1x34928xf32>
    %reduce_sum3A_47 = vector.shape_cast %mul3A_46 : vector<1x34928xf32> to vector<1x1x34928xf32>
    %reduce_sum3A_48 = arith.constant dense<0.000000e+00> : vector<1xf32>
    %reduce_sum3A_49 = vector.multi_reduction <add>, %reduce_sum3A_47, %reduce_sum3A_48 [1, 2] : vector<1x1x34928xf32> to vector<1xf32>
    %reduce_sum3A_50 = vector.shape_cast %reduce_sum3A_49 : vector<1xf32> to vector<1x1x1xf32>
    %reduce_sum3A_51 = vector.extract %reduce_sum3A_50[0, 0, 0] : f32 from vector<1x1x1xf32>
    %eq3A_52 = arith.constant 0 : i32
    %eq3A_53 = arith.cmpi eq, %arg0, %eq3A_52 : i32
    %get3A_54 = arith.constant 0 : index
    %get3A_55 = arith.constant 0 : index
    %get3A_56 = memref.load %arg8[%get3A_54, %get3A_55] : memref<1x1xf32, #tpu.memory_space<smem>>
    %add3A = arith.addf %get3A_56, %reduce_sum3A_51 : f32
    %select_n3A_57 = arith.select %eq3A_53, %reduce_sum3A_51, %add3A : f32
    %swap3A_58 = arith.constant 0 : index
    %swap3A_59 = arith.constant 0 : index
    %swap3A_60 = memref.load %arg8[%swap3A_58, %swap3A_59] : memref<1x1xf32, #tpu.memory_space<smem>>
    memref.store %select_n3A_57, %arg8[%swap3A_58, %swap3A_59] : memref<1x1xf32, #tpu.memory_space<smem>>
    %eq3A_61 = arith.constant 31 : i32
    %eq3A_62 = arith.cmpi eq, %arg0, %eq3A_61 : i32
    %convert_element_type3A = arith.extui %eq3A_62 : i1 to i32
    %cond3A = arith.constant 0 : i32
    %cond3A_63 = arith.cmpi ne, %convert_element_type3A, %cond3A : i32
    scf.if %cond3A_63 {
      %swap3A_64 = arith.constant 0 : index
      %swap3A_65 = arith.constant 0 : index
      %swap3A_66 = memref.load %arg7[%swap3A_64, %swap3A_65] : memref<1x1xf32, #tpu.memory_space<smem>>
      memref.store %select_n3A_57, %arg7[%swap3A_64, %swap3A_65] : memref<1x1xf32, #tpu.memory_space<smem>>
    } else {
    }
    return
  }
  func.func @transform_0(%arg0: i32) -> (i32, i32, i32) {
    %c0_i32 = arith.constant 0 : i32
    %c0_i32_0 = arith.constant 0 : i32
    %c0_i32_1 = arith.constant 0 : i32
    return %arg0, %c0_i32, %c0_i32_0 : i32, i32, i32
  }
  func.func @transform_1(%arg0: i32) -> (i32, i32, i32) {
    %c0_i32 = arith.constant 0 : i32
    %c0_i32_0 = arith.constant 0 : i32
    %c0_i32_1 = arith.constant 0 : i32
    return %arg0, %c0_i32, %c0_i32_0 : i32, i32, i32
  }
  func.func @transform_2(%arg0: i32) -> (i32, i32, i32) {
    %c0_i32 = arith.constant 0 : i32
    %c0_i32_0 = arith.constant 0 : i32
    %c0_i32_1 = arith.constant 0 : i32
    return %arg0, %c0_i32, %c0_i32_0 : i32, i32, i32
  }
  func.func @transform_3(%arg0: i32) -> (i32, i32, i32) {
    %c0_i32 = arith.constant 0 : i32
    %c0_i32_0 = arith.constant 0 : i32
    %c0_i32_1 = arith.constant 0 : i32
    return %arg0, %c0_i32, %c0_i32_0 : i32, i32, i32
  }
  func.func @transform_4(%arg0: i32) -> (i32, i32, i32) {
    %c0_i32 = arith.constant 0 : i32
    %c0_i32_0 = arith.constant 0 : i32
    %c0_i32_1 = arith.constant 0 : i32
    return %arg0, %c0_i32, %c0_i32_0 : i32, i32, i32
  }
  func.func @transform_5(%arg0: i32) -> (i32, i32, i32) {
    %c0_i32 = arith.constant 0 : i32
    %c0_i32_0 = arith.constant 0 : i32
    %c0_i32_1 = arith.constant 0 : i32
    return %arg0, %c0_i32, %c0_i32_0 : i32, i32, i32
  }
  func.func @transform_6(%arg0: i32) -> (i32, i32) {
    %c0_i32 = arith.constant 0 : i32
    %c0_i32_0 = arith.constant 0 : i32
    %c0_i32_1 = arith.constant 0 : i32
    return %c0_i32, %c0_i32_0 : i32, i32
  }
}

module attributes {stable_mosaic.version = 14 : i64} {
  func.func @_rare_body(%arg0: memref<32x8832xf32, #tpu.memory_space<vmem>>, %arg1: memref<32x8832xi32, #tpu.memory_space<vmem>>, %arg2: memref<32x1xi32, #tpu.memory_space<vmem>>, %arg3: memref<1x1xf32, #tpu.memory_space<smem>>, %arg4: memref<1x1xf32, #tpu.memory_space<smem>>) attributes {dimension_semantics = [], scalar_prefetch = 0 : i64, scratch_operands = 0 : i64, tpu.core_type = #tpu.core_type<tc>} {
    %get3A = arith.constant 0 : index
    %get3A_0 = arith.constant 0 : index
    %get3A_1 = vector.load %arg0[%get3A, %get3A_0] : memref<32x8832xf32, #tpu.memory_space<vmem>>, vector<32x8832xf32>
    %get3A_2 = arith.constant 0 : index
    %get3A_3 = arith.constant 0 : index
    %get3A_4 = vector.load %arg1[%get3A_2, %get3A_3] : memref<32x8832xi32, #tpu.memory_space<vmem>>, vector<32x8832xi32>
    %get3A_5 = arith.constant 0 : index
    %get3A_6 = arith.constant 0 : index
    %get3A_7 = vector.load %arg2[%get3A_5, %get3A_6] : memref<32x1xi32, #tpu.memory_space<vmem>>, vector<32x1xi32>
    %convert_element_type3A = arith.sitofp %get3A_7 : vector<32x1xi32> to vector<32x1xf32>
    %mul3A = arith.constant 3.000000e+00 : f32
    %mul3A_8 = vector.broadcast %mul3A : f32 to vector<32x1xf32>
    %mul3A_9 = arith.mulf %mul3A_8, %convert_element_type3A : vector<32x1xf32>
    %sub3A = arith.constant 8.732000e+03 : f32
    %sub3A_10 = vector.broadcast %sub3A : f32 to vector<32x1xf32>
    %sub3A_11 = arith.subf %sub3A_10, %convert_element_type3A : vector<32x1xf32>
    %gt3A = arith.constant 0 : i32
    %gt3A_12 = vector.broadcast %gt3A : i32 to vector<32x8832xi32>
    %gt3A_13 = arith.cmpi sgt, %get3A_4, %gt3A_12 : vector<32x8832xi32>
    %jit3A = arith.constant 0.000000e+00 : f32
    %broadcast_in_dim3A = vector.broadcast %jit3A : f32 to vector<32x8832xf32>
    %select_n3A = arith.select %gt3A_13, %get3A_1, %broadcast_in_dim3A : vector<32x8832xi1>, vector<32x8832xf32>
    %reduce_sum3A = arith.constant dense<0.000000e+00> : vector<32xf32>
    %reduce_sum3A_14 = vector.multi_reduction <add>, %select_n3A, %reduce_sum3A [1] : vector<32x8832xf32> to vector<32xf32>
    %broadcast_in_dim3A_15 = vector.shape_cast %reduce_sum3A_14 : vector<32xf32> to vector<32x1xf32>
    %jit3A_16 = arith.constant 0.000000e+00 : f32
    %broadcast_in_dim3A_17 = vector.broadcast %jit3A_16 : f32 to vector<32x8832xf32>
    %select_n3A_18 = arith.select %gt3A_13, %broadcast_in_dim3A_17, %get3A_1 : vector<32x8832xi1>, vector<32x8832xf32>
    %reduce_sum3A_19 = arith.constant dense<0.000000e+00> : vector<32xf32>
    %reduce_sum3A_20 = vector.multi_reduction <add>, %select_n3A_18, %reduce_sum3A_19 [1] : vector<32x8832xf32> to vector<32xf32>
    %broadcast_in_dim3A_21 = vector.shape_cast %reduce_sum3A_20 : vector<32xf32> to vector<32x1xf32>
    %bitcast_convert_type3A = tpu.bitcast %get3A_1 : vector<32x8832xf32> -> vector<32x8832xi32>
    %jit3A_22 = arith.constant -1 : i32
    %broadcast_in_dim3A_23 = vector.broadcast %jit3A_22 : i32 to vector<32x8832xi32>
    %select_n3A_24 = arith.select %gt3A_13, %broadcast_in_dim3A_23, %bitcast_convert_type3A : vector<32x8832xi1>, vector<32x8832xi32>
    %get3A_25 = arith.constant 0 : index
    %get3A_26 = arith.constant 0 : index
    %get3A_27 = vector.load %arg2[%get3A_25, %get3A_26] : memref<32x1xi32, #tpu.memory_space<vmem>>, vector<32x1xi32>
    %mul3A_28 = arith.constant 3 : i32
    %mul3A_29 = vector.broadcast %mul3A_28 : i32 to vector<32x1xi32>
    %mul3A_30 = arith.muli %mul3A_29, %get3A_27 : vector<32x1xi32>
    %broadcast_in_dim3A_31 = arith.constant 0 : i32
    %broadcast_in_dim3A_32 = vector.broadcast %broadcast_in_dim3A_31 : i32 to vector<32x1xi32>
    %scan3A = arith.constant 0 : i32
    %scan3A_33 = arith.constant 31 : i32
    %scan3A_34 = arith.addi %scan3A, %scan3A_33 : i32
    %scan3A_35 = arith.constant 1 : i32
    %scan3A_36 = scf.for %scan3A_77 = %scan3A to %scan3A_34 step %scan3A_35 iter_args(%scan3A_78 = %broadcast_in_dim3A_32) -> (vector<32x1xi32>)  : i32 {
      %sub3A_79 = arith.constant 30 : i32
      %sub3A_80 = arith.subi %sub3A_79, %scan3A_77 : i32
      %shift_left3A = arith.constant 1 : i32
      %shift_left3A_81 = arith.shli %shift_left3A, %sub3A_80 : i32
      %or3A = vector.broadcast %shift_left3A_81 : i32 to vector<32x1xi32>
      %or3A_82 = arith.ori %scan3A_78, %or3A : vector<32x1xi32>
      %ge3A_83 = vector.broadcast %or3A_82 : vector<32x1xi32> to vector<32x8832xi32>
      %ge3A_84 = arith.cmpi sge, %select_n3A_24, %ge3A_83 : vector<32x8832xi32>
      %convert_element_type3A_85 = arith.extui %ge3A_84 : vector<32x8832xi1> to vector<32x8832xi32>
      %reduce_sum3A_86 = arith.constant dense<0> : vector<32xi32>
      %reduce_sum3A_87 = vector.multi_reduction <add>, %convert_element_type3A_85, %reduce_sum3A_86 [1] : vector<32x8832xi32> to vector<32xi32>
      %broadcast_in_dim3A_88 = vector.shape_cast %reduce_sum3A_87 : vector<32xi32> to vector<32x1xi32>
      %ge3A_89 = arith.cmpi sge, %broadcast_in_dim3A_88, %mul3A_30 : vector<32x1xi32>
      %select_n3A_90 = arith.select %ge3A_89, %or3A_82, %scan3A_78 : vector<32x1xi1>, vector<32x1xi32>
      scf.yield %select_n3A_90 : vector<32x1xi32>
    }
    %scan3A_37 = arith.constant 31 : i32
    %gt3A_38 = vector.broadcast %scan3A_36 : vector<32x1xi32> to vector<32x8832xi32>
    %gt3A_39 = arith.cmpi sgt, %select_n3A_24, %gt3A_38 : vector<32x8832xi32>
    %convert_element_type3A_40 = arith.extui %gt3A_39 : vector<32x8832xi1> to vector<32x8832xi32>
    %reduce_sum3A_41 = arith.constant dense<0> : vector<32xi32>
    %reduce_sum3A_42 = vector.multi_reduction <add>, %convert_element_type3A_40, %reduce_sum3A_41 [1] : vector<32x8832xi32> to vector<32xi32>
    %broadcast_in_dim3A_43 = vector.shape_cast %reduce_sum3A_42 : vector<32xi32> to vector<32x1xi32>
    %jit3A_44 = arith.constant 0.000000e+00 : f32
    %broadcast_in_dim3A_45 = vector.broadcast %jit3A_44 : f32 to vector<32x8832xf32>
    %select_n3A_46 = arith.select %gt3A_39, %get3A_1, %broadcast_in_dim3A_45 : vector<32x8832xi1>, vector<32x8832xf32>
    %reduce_sum3A_47 = arith.constant dense<0.000000e+00> : vector<32xf32>
    %reduce_sum3A_48 = vector.multi_reduction <add>, %select_n3A_46, %reduce_sum3A_47 [1] : vector<32x8832xf32> to vector<32xf32>
    %broadcast_in_dim3A_49 = vector.shape_cast %reduce_sum3A_48 : vector<32xf32> to vector<32x1xf32>
    %bitcast_convert_type3A_50 = tpu.bitcast %scan3A_36 : vector<32x1xi32> -> vector<32x1xf32>
    %sub3A_51 = arith.subi %mul3A_30, %broadcast_in_dim3A_43 : vector<32x1xi32>
    %convert_element_type3A_52 = arith.sitofp %sub3A_51 : vector<32x1xi32> to vector<32x1xf32>
    %mul3A_53 = arith.mulf %convert_element_type3A_52, %bitcast_convert_type3A_50 : vector<32x1xf32>
    %add3A = arith.addf %broadcast_in_dim3A_49, %mul3A_53 : vector<32x1xf32>
    %eq3A = arith.constant 0 : i32
    %eq3A_54 = vector.broadcast %eq3A : i32 to vector<32x1xi32>
    %eq3A_55 = arith.cmpi eq, %mul3A_30, %eq3A_54 : vector<32x1xi32>
    %jit3A_56 = arith.constant 0.000000e+00 : f32
    %broadcast_in_dim3A_57 = vector.broadcast %jit3A_56 : f32 to vector<32x1xf32>
    %select_n3A_58 = arith.select %eq3A_55, %broadcast_in_dim3A_57, %add3A : vector<32x1xi1>, vector<32x1xf32>
    %ge3A = arith.cmpf oge, %mul3A_9, %sub3A_11 : vector<32x1xf32>
    %select_n3A_59 = arith.select %ge3A, %broadcast_in_dim3A_21, %select_n3A_58 : vector<32x1xi1>, vector<32x1xf32>
    %add3A_60 = arith.addf %broadcast_in_dim3A_15, %select_n3A_59 : vector<32x1xf32>
    %reduce_sum3A_61 = vector.shape_cast %convert_element_type3A : vector<32x1xf32> to vector<1x32x1xf32>
    %reduce_sum3A_62 = arith.constant dense<0.000000e+00> : vector<1xf32>
    %reduce_sum3A_63 = vector.multi_reduction <add>, %reduce_sum3A_61, %reduce_sum3A_62 [1, 2] : vector<1x32x1xf32> to vector<1xf32>
    %reduce_sum3A_64 = vector.shape_cast %reduce_sum3A_63 : vector<1xf32> to vector<1x1x1xf32>
    %reduce_sum3A_65 = vector.extract %reduce_sum3A_64[0, 0, 0] : f32 from vector<1x1x1xf32>
    %get3A_66 = arith.constant 0 : index
    %get3A_67 = arith.constant 0 : index
    %get3A_68 = memref.load %arg3[%get3A_66, %get3A_67] : memref<1x1xf32, #tpu.memory_space<smem>>
    %reduce_sum3A_69 = vector.shape_cast %add3A_60 : vector<32x1xf32> to vector<1x32x1xf32>
    %reduce_sum3A_70 = arith.constant dense<0.000000e+00> : vector<1xf32>
    %reduce_sum3A_71 = vector.multi_reduction <add>, %reduce_sum3A_69, %reduce_sum3A_70 [1, 2] : vector<1x32x1xf32> to vector<1xf32>
    %reduce_sum3A_72 = vector.shape_cast %reduce_sum3A_71 : vector<1xf32> to vector<1x1x1xf32>
    %reduce_sum3A_73 = vector.extract %reduce_sum3A_72[0, 0, 0] : f32 from vector<1x1x1xf32>
    %add3A_74 = arith.addf %get3A_68, %reduce_sum3A_73 : f32
    %div3A = arith.divf %add3A_74, %reduce_sum3A_65 : f32
    %swap3A = arith.constant 0 : index
    %swap3A_75 = arith.constant 0 : index
    %swap3A_76 = memref.load %arg4[%swap3A, %swap3A_75] : memref<1x1xf32, #tpu.memory_space<smem>>
    memref.store %div3A, %arg4[%swap3A, %swap3A_75] : memref<1x1xf32, #tpu.memory_space<smem>>
    return
  }
}

</mosaic_0001>

<sc_bundles>
// kernel: kernel.4.cloned.1.call-start
scs
__scs_entry_jumppad:
0x0: {  	(pc) =	sbr.rel $0x88, $3  }
0x1: {  	(tag) =	ssettag $0x0;
	lr =	simm.s32 $0x1  }
0x2: {  	[smem:$0x3F9D] =	sst lr;
	_ =	strace $0xD0000000  }
0x3: {  	_ = 	snop  }
0x4: {  	_ = 	snop  }
0x5: {  	_ = 	snop  }
0x6: {  	_ = 	snop  }
0x7: {  	_ = 	snop  }
__scs_overlays_trampoline_lowered:
0x8: {  	[smem:$0x3FAC] =	sst s0  }
0x9: {  	[smem:$0x3FAD] =	sst s1  }
0xa: {  	[smem:$0x3FAE] =	sst s2  }
0xb: {  	[smem:$0x3FAF] =	sst s3  }
0xc: {  	[smem:$0x3FB0] =	sst s4  }
0xd: {  	[smem:$0x3FB1] =	sst s5  }
0xe: {  	[smem:$0x3FB2] =	sst s6  }
0xf: {  	[smem:$0x3FB3] =	sst s7  }
0x10: {  	[smem:$0x3FB4] =	sst s8  }
0x11: {  	[smem:$0x3FB5] =	sst s9;
	s0 =	simm.s32 @!p0 $0x0  }
0x12: {  	s1 =	sld [smem:$0x3F9B];
	s0 =	simm.s32 @p0 $0x1  }
0x13: {  	[smem:$0x3FB6] =	sst s0;
	s0 =	simm.s32 @!p1 $0x0  }
0x14: {  	s2 =	sld [smem:$0x3F9A];
	s0 =	simm.s32 @p1 $0x1  }
0x15: {  	[smem:$0x3FB7] =	sst s0;
	s0 =	simm.s32 @!p2 $0x0  }
0x16: {  	s3 =	sld [smem:$0x3FDB];
	s0 =	simm.s32 @p2 $0x1  }
0x17: {  	s4 =	simm.s32 $0x1BF5;
	[smem:$0x3FB9] =	sst s0  }
0x18: {  	s0 =	sld [smem:$0x3F9C];
	_ =	swait.ge [sflag:s4], $0x0  }
0x19: {  	s7 =	sld [smem:$0x3F9D]  }
0x1a: {  	s8 =	sadd.s32 $0xFFFFE003, lr  }
0x1b: {  	s9 =	sadd.s32 $0xFFFFFEF7, lr;
	s5 =	simm.s32 $0xFFFFFFFF;
	p2 =	slt.u32 s8, $0xFFFFF086  }
0x1c: {  	p1 =	slt.u32 s9, $0xF7A;
	s5 =	simm.s32 @!p2 $0x0  }
0x1d: {  	s5 =	simm.s32 @p1 $0x1;
	p0 =	seq.s32 s7, s2  }
0x1e: {  	s7 =	smul.u32 @!p0 $0xF7A, s2;
	p2 =	seq.s32 @!p0 s5, $0x0  }
0x1f: {  	s9 =	smul.u32 $0xF7A, s1;
	s8 =	simm.s32 @!p0 $0x1BF5;
	p2 =	por !p2, p0  }
0x20: {  	[sflag:s8] =	ssyncset.s32 @!p0 $0xFFFFF086;
	s6 =	sadd.s32 @!p0 s3, s7;
	s7 =	simm.s32 @!p0 $0x108  }
0x21: {  	s3 =	sadd.s32 s3, s9;
	s6 =	sadd.s32 @!p0 $0x88, s6;
	s7 =	simm.s32 @p2 $0x1082  }
0x22: {  	[simem:s7], [sflag:s8] =	dma.local @!p0 [hbm:s6], $0xF7A  }
0x23: {  	s9 =	sor.u32 $0xD0000000, s2;
	s6 =	simm.s32 $0x108;
	_ =	swait.ge @!p0 [sflag:s8], $0x0  }
0x24: {  	s3 =	sadd.s32 $0x88, s3;
	s6 =	simm.s32 @!p1 $0x1082;
	[sflag:s4] =	ssyncset.s32 $0xFFFFF086  }
0x25: {  	[simem:s6], [sflag:s4] =	dma.local [hbm:s3], $0xF7A  }
0x26: {  	[smem:$0x3F9D] =	sst s1;
	(tag) =	ssettag s2;
	_ =	strace s9  }
0x27: {  	s1 =	sld [smem:$0x3FAD]  }
0x28: {  	s2 =	sld [smem:$0x3FAE]  }
0x29: {  	s4 =	sld [smem:$0x3FB0]  }
0x2a: {  	p0 =	seq.s32 s5, $0x0;
	s5 =	sld [smem:$0x3FB1]  }
0x2b: {  	s6 =	sld [smem:$0x3FB2]  }
0x2c: {  	s7 =	sld [smem:$0x3FB3]  }
0x2d: {  	s3 =	simm.s32 $0x108;
	s8 =	sld [smem:$0x3FB4]  }
0x2e: {  	s3 =	simm.s32 @!p0 $0x1082;
	s9 =	sld [smem:$0x3FB5]  }
0x2f: {  	lr =	sadd.s32 s0, s3;
	s0 =	sld [smem:$0x3FAC]  }
0x30: {  	s3 =	sld [smem:$0x3FAF]  }
0x31: {  	[smem:$0x3FB8] =	sst s10  }
0x32: {  	s10 =	sld [smem:$0x3FB6];
	_ =	sdelay $0x3  }
0x33: {  	p0 =	seq.s32 s10, $0x1;
	s10 =	sld [smem:$0x3FB8];
	_ =	sdelay $0x3  }
0x34: {  	[smem:$0x3FB8] =	sst s10  }
0x35: {  	s10 =	sld [smem:$0x3FB7];
	_ =	sdelay $0x3  }
0x36: {  	p1 =	seq.s32 s10, $0x1;
	s10 =	sld [smem:$0x3FB8];
	_ =	sdelay $0x3  }
0x37: {  	[smem:$0x3FB8] =	sst s10  }
0x38: {  	s10 =	sld [smem:$0x3FB9]  }
0x39: {  	_ = 	snop;
	(pc) =	sbr.ind lr, $3  }
0x3a: {  	_ = 	snop  }
0x3b: {  	_ = 	snop  }
0x3c: {  	p2 =	seq.s32 s10, $0x1;
	s10 =	sld [smem:$0x3FB8]  }
0x3d: {  	_ =	shalt  }
0x3e: {  	_ =	shalt  }
0x3f: {  	_ =	shalt  }
0x40: {  	_ =	shalt  }
0x41: {  	_ =	shalt  }
0x42: {  	_ =	shalt  }
0x43: {  	_ =	shalt  }
0x44: {  	_ =	shalt  }
0x45: {  	_ =	shalt  }
0x46: {  	_ =	shalt  }
0x47: {  	_ =	shalt  }
0x48: {  	_ =	shalt  }
0x49: {  	_ =	shalt  }
0x4a: {  	_ =	shalt  }
0x4b: {  	_ =	shalt  }
0x4c: {  	_ =	shalt  }
0x4d: {  	_ =	shalt  }
0x4e: {  	_ =	shalt  }
0x4f: {  	_ =	shalt  }
0x50: {  	_ =	shalt  }
0x51: {  	_ =	shalt  }
0x52: {  	_ =	shalt  }
0x53: {  	_ =	shalt  }
0x54: {  	_ =	shalt  }
0x55: {  	_ =	shalt  }
0x56: {  	_ =	shalt  }
0x57: {  	_ =	shalt  }
0x58: {  	_ =	shalt  }
0x59: {  	_ =	shalt  }
0x5a: {  	_ =	shalt  }
0x5b: {  	_ =	shalt  }
0x5c: {  	_ =	shalt  }
0x5d: {  	_ =	shalt  }
0x5e: {  	_ =	shalt  }
0x5f: {  	_ =	shalt  }
0x60: {  	_ =	shalt  }
0x61: {  	_ =	shalt  }
0x62: {  	_ =	shalt  }
0x63: {  	_ =	shalt  }
0x64: {  	_ =	shalt  }
0x65: {  	_ =	shalt  }
0x66: {  	_ =	shalt  }
0x67: {  	_ =	shalt  }
0x68: {  	_ =	shalt  }
0x69: {  	_ =	shalt  }
0x6a: {  	_ =	shalt  }
0x6b: {  	_ =	shalt  }
0x6c: {  	_ =	shalt  }
0x6d: {  	_ =	shalt  }
0x6e: {  	_ =	shalt  }
0x6f: {  	_ =	shalt  }
0x70: {  	_ =	shalt  }
0x71: {  	_ =	shalt  }
0x72: {  	_ =	shalt  }
0x73: {  	_ =	shalt  }
0x74: {  	_ =	shalt  }
0x75: {  	_ =	shalt  }
0x76: {  	_ =	shalt  }
0x77: {  	_ =	shalt  }
0x78: {  	_ =	shalt  }
0x79: {  	_ =	shalt  }
0x7a: {  	_ =	shalt  }
0x7b: {  	_ =	shalt  }
0x7c: {  	_ =	shalt  }
0x7d: {  	_ =	shalt  }
0x7e: {  	_ =	shalt  }
0x7f: {  	_ =	shalt  }
0x80: {  	_ =	shalt  }
0x81: {  	_ =	shalt  }
0x82: {  	_ =	shalt  }
0x83: {  	_ =	shalt  }
0x84: {  	_ =	shalt  }
0x85: {  	_ =	shalt  }
0x86: {  	_ =	shalt  }
0x87: {  	_ =	shalt  }
.Lfunc_end0:
.L_simem_size_0:
called_computation_lowered:
.L_overlay_start_0:
0x88: {  	s2 =	sld [smem:$0x3FD9]  }
0x89: {  	s3 =	sld [smem:$0x3FFE];
	_ =	sdelay $0x1  }
0x8a: {  	s1 =	srdreg.scid  }
0x8b: {  	s0 =	sand.u32 $0x1, s1  }
0x8c: {  	s16 =	sshll.u32 s0, $0xA;
	s2 =	sadd.s32 s3, s2  }
0x8d: {  	s2 =	sadd.s32 s2, s16  }
0x8e: {  	[smem:$0x3FC4] =	sst s2  }
0x8f: {  	_ = 	snop  }
0x90: {  	(tm) =	ssettm $0x1  }
0x91: {  	s17 =	sld [smem:$0x3FFB];
	_ =	sdelay $0x3  }
0x92: {  	_ =	strace s17  }
0x93: {  	s2 =	sld [smem:$0x3FFC];
	_ =	sdelay $0x3  }
0x94: {  	_ =	strace s2  }
0x95: {  	s2 =	sld [smem:$0x3FFD];
	_ =	sdelay $0x3  }
0x96: {  	_ =	strace s2  }
0x97: {  	_ =	strace $0x8FFFFFFF  }
0x98: {  	s18 =	sld [smem:$0x3FDB];
	_ =	sdelay $0x1  }
0x99: {  	s19 =	simm.s32 $_scs_section_size  }
0x9a: {  	s4 =	simm.s32 $_size__tile_overlayer_lowered;
	s5 =	simm.s32 $_tile_overlayer_lowered  }
0x9b: {  	s22 =	simm.s32 $0x1BFF;
	s21 =	sshll.u32 s5, $0x1;
	s2 =	sadd.s32 s19, s18  }
0x9c: {  	s6 =	simm.s32 $0x0;
	s20 =	sshll.u32 s4, $0x1;
	s4 =	sadd.s32 s21, s2  }
0x9d: {  	[timem:s6], [sflag:s22] =	dma.local [hbm:s4], s20  }
0x9e: {  	_ =	swait.ge [sflag:s22], s20  }
0x9f: {  	s3 =	ssub.s32 $0x0, s20;
	[sflag:s22] =	ssyncset.done $0x0  }
0xa0: {  	[sflag:s22] =	ssyncadd.s32 s3;
	_ =	sdelay $0x1  }
0xa1: {  	s23 =	simm.s32 $0x1B8B  }
0xa2: {  	_ =	swait.ge [sflag:s23], $0x1  }
0xa3: {  	[sflag:s23] =	ssyncset.done $0x0  }
0xa4: {  	s25 =	simm.s32 $0x1B8E;
	s24 =	sld [smem:$0x3FFE];
	[sflag:s23] =	ssyncadd.s32 $0xFFFFFFFF  }
0xa5: {  	s26 =	simm.s32 $execute0_lowered;
	[smem:$0x3FD2] =	sst s25  }
0xa6: {  	s4 =	sshll.u32 s26, $0x1;
	_ =	strace $0x80000046;
	[dreg:$0x1] =	wrdreg $0xFFFFFFFF  }
0xa7: {  	s28 =	simm.s32 $_size_execute0_lowered;
	s2 =	sadd.s32 s2, s4;
	[dreg:$0x0] =	wrdreg $0x0  }
0xa8: {  	s4 =	sshll.u32 s28, $0x1;
	[dreg:$0x2] =	wrdreg s2  }
0xa9: {  	[dreg:$0x3] =	wrdreg s4  }
0xaa: {  	[dreg:$0x4] =	wrdreg $0xC0  }
0xab: {  	_ =	task [dreg:s6], $0x5FFFF  }
0xac: {  	[dreg:$0x1] =	wrdreg $0xFFFFFFFF  }
0xad: {  	[dreg:$0x0] =	wrdreg $0x60  }
0xae: {  	[dreg:$0x2] =	wrdreg s24  }
0xaf: {  	[dreg:$0x3] =	wrdreg $0x9  }
0xb0: {  	_ =	task.clear_ibuf [dreg:s6], $0x4FFFF;
	_ =	strace $0x90000046  }
0xb1: {  	s29 =	simm.s32 $0x9;
	_ =	strace $0x80000048  }
0xb2: {  	_ =	swait.ge [sflag:s29], $0x1  }
0xb3: {  	[sflag:s29] =	ssyncadd.s32 $0xFFFFFFFF  }
0xb4: {  	_ =	strace $0x90000048  }
0xb5: {  	_ =	sfence  }
0xb6: {  	s30 =	sld [smem:$0x0];
	_ =	sdelay $0x2  }
0xb7: {  	s31 =	sshll.u32 s1, $0xD;
	s1 =	sshrl.u32 s1, $0x2  }
0xb8: {  	s3 =	sand.u32 $0x4000, s31;
	s1 =	sadd.s32 s1, s30  }
0xb9: {  	s0 =	sor.u32 s3, s0;
	s1 =	sshll.u32 s1, $0x11  }
0xba: {  	s0 =	sor.u32 s1, s0  }
0xbb: {  	s0 =	sadd.s32 $0x8F2B, s0  }
0xbc: {  	[sflag:s0] =	ssyncadd.remote.s32 $0x1  }
0xbd: {  	_ =	sfence.sel $0xFFFF  }
0xbe: {  	[dreg:$0x0] =	wrdreg $0xFFFFFFFF;
	(pc) =	sbr.abs _section_cstart, $3  }
0xbf: {  	[dreg:$0x1] =	wrdreg $0xFFFFFFFF  }
0xc0: {  	_ =	task.clear_ibuf [dreg:s6], $0x2FFFF;
	_ =	strace $0x9FFFFFFF  }
0xc1: {  	(tm) =	ssettm $0x7FFFFFFF  }
tec
execute0_lowered:
.L_overlay_start_1:
0x0: {  	(tag) =	ssettag $0x1  }
0x1: {  	s0 =	srdreg.scid;
	s4 =	rddreg [dreg:$0x0]  }
0x2: {  	s1 =	stileid.u32;
	s2 =	simm.s32 $0x0;
	s10 =	simm.s32 $0x2280  }
0x3: {  	s11 =	simm.s32 $0x4500;
	s12 =	simm.s32 $0x4580;
	s3 =	sand.u32 $0x1, s0  }
0x4: {  	s13 =	simm.s32 $0x4600;
	s0 =	rddreg [dreg:$0x1];
	s5 =	sshll.u32 s3, $0x4  }
0x5: {  	s14 =	simm.s32 $0x0;
	[smem:$0x7FF] =	sst s2;
	s5 =	sor.u32 s1, s5  }
0x6: {  	s3 =	ssub.s32 $0x2, s3;
	s6 =	smul.u32 $0x450, s5;
	s5 =	sshll.u32 s5, $0x1  }
0x7: {  	_ =	strace $0x80000047;
	s7 =	sshrl.u32 s3, $0x1;
	s8 =	sadd.s32 s5, s4  }
0x8: {  	s9 =	ssub.s32 s3, s7;
	s6 =	sadd.s32 s6, s4;
	s5 =	sadd.s32 $0x1A000, s8  }
0x9: {  	s7 =	sadd.s32 $0x1A400, s8;
	s3 =	sadd.s32 $0x11600, s6;
	s4 =	sadd.s32 $0x8C00, s6  }
0xa: {  	v0 =	vimm.s32 $0x0;
	s6 =	sadd.s32 $0x1A200, s8;
	s8 =	smax.u32 s9, $0x1;
	s9 =	simm.s32 $0x1  }
.LBB2_1:
0xb: {  	[tilespmem:s2], [sflag:$0x1] =	stream.linear.gather [hbm4b:s3+s2], $0x2280, $0x38;
	[tilespmem:$0x4680] =	vst v63  }
0xc: {  	_ =	swait.ge [sflag:s9], $0x2280  }
0xd: {  	[sflag:s9] =	ssyncset.done $0x0  }
0xe: {  	[sflag:s9] =	ssyncadd.s32 $0xFFFFDD80  }
0xf: {  	[tilespmem:s10], [sflag:$0x1] =	stream.linear.gather [hbm4b:s4+s2], $0x2280, $0x38;
	[tilespmem:$0x4680] =	vst v63  }
0x10: {  	_ =	swait.ge [sflag:s9], $0x2280  }
0x11: {  	[sflag:s9] =	ssyncset.done $0x0  }
0x12: {  	s16 =	simm.s32 $0x0;
	[sflag:s9] =	ssyncadd.s32 $0xFFFFDD80  }
0x13: {  	v4 =	vld [tilespmem:s16+$0x2280]  }
0x14: {  	v1 =	vimm.f32 $0.0e+00;
	s15 =	simm.s32 $0x40;
	v3 =	vimm.s32 $0x0;
	v2 =	vimm.f32 $0.0e+00;
	v5 =	vld [tilespmem:s16+$0x0]  }
.LBB2_2:
0x15: {  	p0 =	sne.s32 s15, $0x89C0  }
.Ltmp0:
0x16: {  	_ = 	snop;
	(pc) =	sbr.rel @p0 .LBB2_2-.Ltmp0, $4  }
0x17: {  	_ = 	snop  }
0x18: {  	s16 =	sshra.s32 s15, $0x2;
	s15 =	sadd.s32 $0x40, s15;
	vm0 =	vgt.s32 v4, $0x0  }
0x19: {  	v4 =	vld [tilespmem:s16+$0x2280];
	v6 =	vsel vm0, $0x1, v0;
	v7 =	vnsel vm0, $0x0, v5;
	v8 =	vsel vm0, $0x0, v5  }
0x1a: {  	v5 =	vld [tilespmem:s16+$0x0];
	v3 =	vadd.s32 v6, v3;
	v1 =	vadd.f32 v7, v1;
	v2 =	vadd.f32 v8, v2  }
0x1b: {  	_ =	sdelay $0x2  }
0x1c: {  	vm0 =	vgt.s32 v4, $0x0  }
0x1d: {  	v4 =	vsel vm0, $0x1, v0;
	v6 =	vnsel vm0, $0x0, v5  }
0x1e: {  	v63 =	vsel vm0, $0x0, v5;
	v3 =	vadd.s32 v4, v3;
	v1 =	vadd.f32 v6, v1  }
0x1f: {  	v2 =	vadd.f32 v63, v2;
	[tilespmem:$0x4500] =	vst v3  }
0x20: {  	[tilespmem:$0x4580] =	vst v1  }
0x21: {  	[tilespmem:$0x4600] =	vst v2  }
0x22: {  	[hbm4b:s5+s2] =	stream.linear.scatter [tilespmem:s11], [sflag:$0x1], $0x10, $0x38;
	[tilespmem:$0x4680] =	vst v63  }
0x23: {  	_ =	swait.ge [sflag:s9], $0x10  }
0x24: {  	[sflag:s9] =	ssyncset.done $0x0  }
0x25: {  	[sflag:s9] =	ssyncadd.s32 $0xFFFFFFF0  }
0x26: {  	[hbm4b:s6+s2] =	stream.linear.scatter [tilespmem:s12], [sflag:$0x1], $0x10, $0x38;
	[tilespmem:$0x4680] =	vst v63  }
0x27: {  	s14 =	sadd.s32 $0x1, s14;
	_ =	swait.ge [sflag:s9], $0x10  }
0x28: {  	p0 =	sne.s32 s14, s8;
	[sflag:s9] =	ssyncset.done $0x0  }
.Ltmp1:
0x29: {  	[sflag:s9] =	ssyncadd.s32 $0xFFFFFFF0;
	(pc) =	sbr.rel @p0 .LBB2_1-.Ltmp1, $4  }
0x2a: {  	[hbm4b:s7+s2] =	stream.linear.scatter [tilespmem:s13], [sflag:$0x1], $0x10, $0x38;
	[tilespmem:$0x4680] =	vst v63  }
0x2b: {  	_ =	swait.ge [sflag:s9], $0x10  }
0x2c: {  	[sflag:s9] =	ssyncset.done $0x0  }
0x2d: {  	[sflag:s9] =	ssyncadd.s32 $0xFFFFFFF0  }
0x2e: {  	_ =	sfence.sel $0x180000  }
0x2f: {  	[bflag:$0x0] =	sbarrier.arrive $0xFFFF  }
0x30: {  	p0 =	sne.s32 s1, $0x0;
	_ =	strace $0x90000047  }
0x31: {  	s0 =	sadd.s32 @!p0 $0x100000, s0;
	[bflag:$0x2] =	sbarrier.arrive $0xFFFF  }
0x32: {  	[sflag:s0] =	ssyncadd.tile.s32 @!p0 $0x1;
	_ =	shalt  }
.Lfunc_end2:
_tile_overlayer_lowered:
.L_overlay_start_2:
0x33: {  	(tag) =	ssettag $0x2  }
0x34: {  	s0 =	rddreg [dreg:$0x0];
	s2 =	stileid.u32  }
0x35: {  	s1 =	rddreg [dreg:$0x1];
	p0 =	sne.s32 s2, $0x0  }
0x36: {  	s3 =	rddreg [dreg:$0x2];
	[bflag:$0x3] =	sbarrier.arrive $0xFFFF;
	s2 =	simm.s32 @!p0 $0x1C01  }
0x37: {  	[timem:s3], [sflag:s2] =	dma.local @!p0 [hbm:s0], s1  }
0x38: {  	s0 =	simm.s32 @!p0 $0x1  }
0x39: {  	_ =	swait.ge @!p0 [sflag:s0], s1  }
0x3a: {  	s1 =	ssub.s32 @!p0 $0x0, s1;
	[sflag:s0] =	ssyncset.done @!p0 $0x0  }
0x3b: {  	[sflag:s0] =	ssyncadd.s32 @!p0 s1  }
0x3c: {  	[bflag:$0x3] =	sbarrier.arrive $0xFFFF  }
0x3d: {  	_ =	shalt  }

</sc_bundles>
